<compile_context>
chip_gen: v7x
topology: tpu7x:2x2x1
jax: 0.10.2.dev20260603
libtpu: 0.0.44.dev20260713+nightly
codegen_flags: <defaults>
</compile_context>

<pallas_src>
import functools
import jax
import jax.numpy as jnp
from jax import lax
from jax.experimental import pallas as pl
from jax.experimental.pallas import tpu as pltpu
from jax.experimental.pallas import tpu_sc as plsc


def _make_sc_probe():
    mesh = plsc.VectorSubcoreMesh(core_axis_name="c", subcore_axis_name="s")

    @functools.partial(
        pl.kernel, mesh=mesh,
        out_type=jax.ShapeDtypeStruct((128, 8), jnp.float32),
        scratch_types=[pltpu.VMEM((128, 8), jnp.float32)],
    )
    def sc_copy(x_hbm, o_hbm, buf):
        wid = lax.axis_index("s") * 2 + lax.axis_index("c")

        @pl.when(wid == 0)
        def _():
            pltpu.sync_copy(x_hbm, buf)
            pltpu.sync_copy(buf, o_hbm)

    return sc_copy

_N = 1500
_M = 128
_D_MOTION = 13
_N_TYPES = 10
_N_ATTRS = 8
_CLIP_LO = 1e-7
_CLIP_HI = 1.0 - 1e-7
_BIG = 1 << 22
_HI = lax.Precision.HIGHEST


def _t(x, eye):
    return lax.dot_general(x, eye, (((0,), (0,)), ((), ())),
                           preferred_element_type=jnp.float32, precision=_HI)


def _loss_body(pm_ref, plog_ref, pa_ref, gm_ref, ga_ref, gty_ref,
               o0_ref, o1_ref, o2_ref, o3_ref, o4_ref, cost_ref):
    f32 = jnp.float32
    i32 = jnp.int32
    inf = f32(jnp.inf)
    lane = lax.broadcasted_iota(i32, (1, _M), 1)
    rowm = lax.broadcasted_iota(i32, (_M, 1), 0)
    rown = lax.broadcasted_iota(i32, (_N, 1), 0)
    rownf = rown.astype(f32)
    eye = (rowm == lane).astype(f32)

    gmt = _t(gm_ref[...], eye)
    gx = gmt[0:1, :]
    gy = gmt[1:2, :]
    gz = gmt[2:3, :]

    d0 = pm_ref[:, 0:1] - gx
    d1 = pm_ref[:, 1:2] - gy
    d2 = pm_ref[:, 2:3] - gz
    cost_ref[...] = (d0 * d0 + d1 * d1) + d2 * d2

    picks0 = jnp.zeros((1, _M), i32)
    k0 = jnp.zeros((1, 1), i32)

    def cond(carry):
        k, _ = carry
        return k[0, 0] < _M

    def round_body(carry):
        k, picks = carry
        c = cost_ref[...]
        mn = jnp.min(c, axis=0, keepdims=True)
        pv = jnp.where(c <= mn, rown, i32(_BIG))
        p = jnp.min(pv, axis=0, keepdims=True)
        active = lane >= k
        activet = rowm >= k
        claims = (pv == p) & active
        claimsf = claims.astype(f32)
        pt = lax.dot_general(claimsf, rownf, (((0,), (0,)), ((), ())),
                             preferred_element_type=f32, precision=_HI)
        eq = (pt == p.astype(f32)) & activet & (rowm < lane)
        conf = jnp.any(eq, axis=0, keepdims=True) & active
        newk = jnp.min(jnp.where(conf, lane, i32(_M)), axis=(0, 1),
                       keepdims=True)
        newly = active & (lane < newk)
        newlytf = (activet & (rowm < newk)).astype(f32)
        picks = jnp.where(newly, p, picks)
        marks = jnp.dot(claimsf, newlytf, preferred_element_type=f32)
        cost_ref[...] = jnp.where(marks > 0.0, inf, c)
        return newk, picks

    _, picks = lax.while_loop(cond, round_body, (k0, picks0))

    oh = (rown == picks).astype(f32)
    pfcat = jnp.concatenate([pm_ref[...], plog_ref[...], pa_ref[...]],
                            axis=1)
    featst = lax.dot_general(pfcat, oh, (((0,), (0,)), ((), ())),
                             preferred_element_type=f32, precision=_HI)
    mmt = featst[0:13, :]
    mlt = featst[13:23, :]
    mat = featst[23:31, :]

    dmm = mmt - gmt
    motion_loss = jnp.sum(dmm * dmm) / f32(_M * _D_MOTION)

    mx = jnp.max(mlt, axis=0, keepdims=True)
    lse = mx + jnp.log(jnp.sum(jnp.exp(mlt - mx), axis=0, keepdims=True))
    toht = (lax.broadcasted_iota(i32, (_N_TYPES, _M), 0)
            == gty_ref[...].reshape(1, _M)).astype(f32)
    type_loss = (jnp.sum(lse) - jnp.sum(mlt * toht)) / f32(_M)

    gat = _t(ga_ref[...], eye)
    mac = jnp.clip(mat, _CLIP_LO, _CLIP_HI)
    bce = -(gat * jnp.log(mac) + (1.0 - gat) * jnp.log(1.0 - mac))
    attr_loss = jnp.sum(bce) / f32(_M * _N_ATTRS)

    alane = lax.broadcasted_iota(i32, (_N, _N_ATTRS), 1)
    pac = jnp.clip(pa_ref[...], _CLIP_LO, _CLIP_HI)
    base = jnp.sum(jnp.where(alane == 0, -jnp.log(1.0 - pac), f32(0.0)))
    pem = jnp.clip(mat[0:1, :], _CLIP_LO, _CLIP_HI)
    corr = jnp.sum(jnp.log(1.0 - pem) - jnp.log(pem))
    exist_loss = (base + corr) / f32(_N)

    total = (motion_loss + 0.5 * type_loss + 0.5 * attr_loss
             + 2.0 * exist_loss)
    o0_ref[0] = total
    o1_ref[0] = motion_loss
    o2_ref[0] = type_loss
    o3_ref[0] = attr_loss
    o4_ref[0] = exist_loss


def kernel(pred_motion, pred_type_logits, pred_attributes, gt_motion,
           gt_attributes, gt_type):
    f32 = jnp.float32

    out = pl.pallas_call(
        _loss_body,
        out_shape=[jax.ShapeDtypeStruct((1,), f32)] * 5,
        in_specs=[
            pl.BlockSpec(memory_space=pltpu.VMEM),
            pl.BlockSpec(memory_space=pltpu.VMEM),
            pl.BlockSpec(memory_space=pltpu.VMEM),
            pl.BlockSpec(memory_space=pltpu.VMEM),
            pl.BlockSpec(memory_space=pltpu.VMEM),
            pl.BlockSpec(memory_space=pltpu.VMEM),
        ],
        out_specs=[pl.BlockSpec(memory_space=pltpu.SMEM)] * 5,
        scratch_shapes=[
            pltpu.VMEM((_N, _M), f32),
        ],
    )(pred_motion.astype(f32), pred_type_logits.astype(f32),
      pred_attributes.astype(f32), gt_motion.astype(f32),
      gt_attributes.astype(f32), gt_type.astype(jnp.int32))

    scy = _make_sc_probe()(gt_attributes.astype(f32))
    return (out[0][0] + 0.0 * scy[0, 0], out[1][0], out[2][0], out[3][0],
            out[4][0])

# --- scband reference (transcript-rebuilt; emitter-appended) ---
"""Pipeline reference for scband-perception-loss-48593259987155 (READ-ONLY COPY).

The authoritative reference and input builder live on the scoring server;
editing this copy changes nothing except your own understanding.
"""

import jax, jax.numpy as jnp
import numpy as np

N = 1500
M = 128
D_MOTION = 13
N_TYPES = 10
N_ATTRS = 8
HAS_OBJECT = 0  # assumed AttributeType.HAS_OBJECT index
W_MOTION, W_TYPE, W_ATTR, W_EXIST = 1.0, 0.5, 0.5, 2.0


def setup_inputs(seed: int = 0) -> dict:
    key = jax.random.key(seed)
    k1, k2, k3, k4, k5, k6 = jax.random.split(key, 6)
    pred_motion = jax.random.normal(k1, (N, D_MOTION), dtype=jnp.float32)
    pred_type_logits = jax.random.normal(k2, (N, N_TYPES), dtype=jnp.float32)
    # attributes are probabilities fed to binary_cross_entropy -> keep strictly in (0,1)
    pred_attributes = jax.random.uniform(k3, (N, N_ATTRS), dtype=jnp.float32, minval=1e-4, maxval=1.0 - 1e-4)
    gt_motion = jax.random.normal(k4, (M, D_MOTION), dtype=jnp.float32)
    gt_attributes = jax.random.uniform(k5, (M, N_ATTRS), dtype=jnp.float32)
    gt_type = jax.random.randint(k6, (M,), 0, N_TYPES, dtype=jnp.int32).astype(jnp.int64)
    return {
        'pred_motion': pred_motion,
        'pred_type_logits': pred_type_logits,
        'pred_attributes': pred_attributes,
        'gt_motion': gt_motion,
        'gt_attributes': gt_attributes,
        'gt_type': gt_type,
    }


def _greedy_match(pred_motion, gt_motion):
    # cost matrix of squared center distances [N, M]
    pc = pred_motion[:, :3][:, None, :]
    gc = gt_motion[:, :3][None, :, :]
    cost = jnp.sum((pc - gc) ** 2, axis=-1)
    n = pred_motion.shape[0]
    m = gt_motion.shape[0]
    used = jnp.zeros((n,), dtype=bool)
    rows = []
    # greedy per-gt argmin over unmatched preds (faithful to the torch loop; N >= M)
    for g in range(m):
        c = jnp.where(used, jnp.inf, cost[:, g])
        p = jnp.argmin(c)
        rows.append(p)
        used = used.at[p].set(True)
    return jnp.stack(rows)


def _bce(p, t):
    p = jnp.clip(p, 1e-7, 1.0 - 1e-7)
    return -(t * jnp.log(p) + (1.0 - t) * jnp.log(1.0 - p))


def reference(pred_motion, pred_type_logits, pred_attributes, gt_motion, gt_attributes, gt_type):
    rows = _greedy_match(pred_motion, gt_motion)
    matched_motion = pred_motion[rows]
    matched_logits = pred_type_logits[rows]
    matched_attrs = pred_attributes[rows]

    motion_loss = jnp.mean((matched_motion - gt_motion) ** 2)

    logp = jax.nn.log_softmax(matched_logits, axis=-1)
    type_loss = -jnp.mean(jnp.take_along_axis(logp, gt_type[:, None].astype(jnp.int32), axis=-1))

    attribute_loss = jnp.mean(_bce(matched_attrs, gt_attributes))

    pred_existence = pred_attributes[:, HAS_OBJECT]
    target_existence = jnp.zeros_like(pred_existence).at[rows].set(1.0)
    existence_loss = jnp.mean(_bce(pred_existence, target_existence))

    total = (W_MOTION * motion_loss + W_TYPE * type_loss
             + W_ATTR * attribute_loss + W_EXIST * existence_loss)
    return (total, motion_loss, type_loss, attribute_loss, existence_loss)

if __name__ == "__main__":
    import jax
    _d = setup_inputs()
    print(jax.jit(kernel)(*tuple(_d.values())))

</pallas_src>

<mosaic_0001>
#map = affine_map<(d0, d1) -> (0, 0)>
module attributes {stable_mosaic.version = 14 : i64} {
  func.func @sc_copy(%arg0: i32, %arg1: i32, %arg2: memref<128x8xf32, #tpu.memory_space<hbm>>, %arg3: memref<128x8xf32, #tpu.memory_space<hbm>>, %arg4: memref<128x8xf32, #tpu.memory_space<vmem>>) attributes {dimension_semantics = [#tpu.dimension_semantics<core_parallel>, #tpu.dimension_semantics<subcore_parallel>], iteration_bounds = array<i64: 2, 16>, scalar_prefetch = 0 : i64, scratch_operands = 1 : i64, tpu.core_type = #tpu.core_type<sc_vector_subcore>, window_params = [{transform_indices = #map}, {transform_indices = #map}]} {
    %mul3A = arith.constant 2 : i32
    %mul3A_0 = arith.muli %arg1, %mul3A : i32
    %add3A = arith.addi %mul3A_0, %arg0 : i32
    %eq3A = arith.constant 0 : i32
    %eq3A_1 = arith.cmpi eq, %add3A, %eq3A : i32
    %convert_element_type3A = arith.extui %eq3A_1 : i1 to i32
    %cond3A = arith.constant 0 : i32
    %cond3A_2 = arith.cmpi ne, %convert_element_type3A, %cond3A : i32
    scf.if %cond3A_2 {
      "tpu.region"() ({
        %run_scoped3A = tpu.sem_alloc : memref<!tpu.dma_semaphore, #tpu.memory_space<semaphore_mem>>
        tpu.enqueue_dma source(%arg2 : memref<128x8xf32, #tpu.memory_space<hbm>>) target(%arg4 : memref<128x8xf32, #tpu.memory_space<vmem>>) target_semaphore(%run_scoped3A : memref<!tpu.dma_semaphore, #tpu.memory_space<semaphore_mem>>)
        tpu.wait_dma2 semaphore(%run_scoped3A : memref<!tpu.dma_semaphore, #tpu.memory_space<semaphore_mem>>) src(%arg2 : memref<128x8xf32, #tpu.memory_space<hbm>>) dst(%arg4 : memref<128x8xf32, #tpu.memory_space<vmem>>)
        tpu.yield
      }) : () -> ()
      "tpu.region"() ({
        %run_scoped3A = tpu.sem_alloc : memref<!tpu.dma_semaphore, #tpu.memory_space<semaphore_mem>>
        tpu.enqueue_dma source(%arg4 : memref<128x8xf32, #tpu.memory_space<vmem>>) target(%arg3 : memref<128x8xf32, #tpu.memory_space<hbm>>) target_semaphore(%run_scoped3A : memref<!tpu.dma_semaphore, #tpu.memory_space<semaphore_mem>>)
        tpu.wait_dma2 semaphore(%run_scoped3A : memref<!tpu.dma_semaphore, #tpu.memory_space<semaphore_mem>>) src(%arg4 : memref<128x8xf32, #tpu.memory_space<vmem>>) dst(%arg3 : memref<128x8xf32, #tpu.memory_space<hbm>>)
        tpu.yield
      }) : () -> ()
    } else {
    }
    return
  }
}

module attributes {stable_mosaic.version = 14 : i64} {
  func.func @_loss_body(%arg0: memref<1500x13xf32, #tpu.memory_space<vmem>>, %arg1: memref<1500x10xf32, #tpu.memory_space<vmem>>, %arg2: memref<1500x8xf32, #tpu.memory_space<vmem>>, %arg3: memref<128x13xf32, #tpu.memory_space<vmem>>, %arg4: memref<128x8xf32, #tpu.memory_space<vmem>>, %arg5: memref<128xi32, #tpu.memory_space<vmem>>, %arg6: memref<1xf32, #tpu.memory_space<smem>>, %arg7: memref<1xf32, #tpu.memory_space<smem>>, %arg8: memref<1xf32, #tpu.memory_space<smem>>, %arg9: memref<1xf32, #tpu.memory_space<smem>>, %arg10: memref<1xf32, #tpu.memory_space<smem>>, %arg11: memref<1500x128xf32, #tpu.memory_space<vmem>>) attributes {dimension_semantics = [], scalar_prefetch = 0 : i64, scratch_operands = 1 : i64, tpu.core_type = #tpu.core_type<tc>} {
    %iota3A = tpu.iota {dimensions = array<i32: 1>} : vector<1x128xi32>
    %iota3A_0 = tpu.iota {dimensions = array<i32: 0>} : vector<128x1xi32>
    %iota3A_1 = tpu.iota {dimensions = array<i32: 0>} : vector<1500x1xi32>
    %convert_element_type3A = arith.sitofp %iota3A_1 : vector<1500x1xi32> to vector<1500x1xf32>
    %eq3A = vector.broadcast %iota3A_0 : vector<128x1xi32> to vector<128x128xi32>
    %eq3A_2 = vector.broadcast %iota3A : vector<1x128xi32> to vector<128x128xi32>
    %eq3A_3 = arith.cmpi eq, %eq3A, %eq3A_2 : vector<128x128xi32>
    %convert_element_type3A_4 = arith.extui %eq3A_3 : vector<128x128xi1> to vector<128x128xi32>
    %convert_element_type3A_5 = arith.sitofp %convert_element_type3A_4 : vector<128x128xi32> to vector<128x128xf32>
    %get3A = arith.constant 0 : index
    %get3A_6 = arith.constant 0 : index
    %get3A_7 = vector.load %arg3[%get3A, %get3A_6] : memref<128x13xf32, #tpu.memory_space<vmem>>, vector<128x13xf32>
    %dot_general3A = arith.constant dense<0.000000e+00> : vector<13x128xf32>
    %dot_general3A_8 = tpu.matmul %get3A_7, %convert_element_type3A_5, %dot_general3A {dimension_numbers = #tpu.dot_dimension_numbers<[0], [0], [1], [1], [0, 1, 1, 1], [], []>, precision = #tpu.contract_precision<fp32>, transpose_lhs_hint = false} : vector<128x13xf32>, vector<128x128xf32>, vector<13x128xf32> -> vector<13x128xf32>
    %slice3A = vector.extract_strided_slice %dot_general3A_8 {offsets = [0, 0], sizes = [1, 128], strides = [1, 1]} : vector<13x128xf32> to vector<1x128xf32>
    %slice3A_9 = vector.extract_strided_slice %dot_general3A_8 {offsets = [1, 0], sizes = [1, 128], strides = [1, 1]} : vector<13x128xf32> to vector<1x128xf32>
    %slice3A_10 = vector.extract_strided_slice %dot_general3A_8 {offsets = [2, 0], sizes = [1, 128], strides = [1, 1]} : vector<13x128xf32> to vector<1x128xf32>
    %get3A_11 = arith.constant 0 : index
    %get3A_12 = arith.constant 0 : index
    %get3A_13 = vector.load %arg0[%get3A_11, %get3A_12] : memref<1500x13xf32, #tpu.memory_space<vmem>>, vector<1500x1xf32>
    %sub3A = vector.broadcast %get3A_13 : vector<1500x1xf32> to vector<1500x128xf32>
    %sub3A_14 = vector.broadcast %slice3A : vector<1x128xf32> to vector<1500x128xf32>
    %sub3A_15 = arith.subf %sub3A, %sub3A_14 : vector<1500x128xf32>
    %get3A_16 = arith.constant 0 : index
    %get3A_17 = arith.constant 1 : index
    %get3A_18 = vector.load %arg0[%get3A_16, %get3A_17] : memref<1500x13xf32, #tpu.memory_space<vmem>>, vector<1500x1xf32>
    %sub3A_19 = vector.broadcast %get3A_18 : vector<1500x1xf32> to vector<1500x128xf32>
    %sub3A_20 = vector.broadcast %slice3A_9 : vector<1x128xf32> to vector<1500x128xf32>
    %sub3A_21 = arith.subf %sub3A_19, %sub3A_20 : vector<1500x128xf32>
    %get3A_22 = arith.constant 0 : index
    %get3A_23 = arith.constant 2 : index
    %get3A_24 = vector.load %arg0[%get3A_22, %get3A_23] : memref<1500x13xf32, #tpu.memory_space<vmem>>, vector<1500x1xf32>
    %sub3A_25 = vector.broadcast %get3A_24 : vector<1500x1xf32> to vector<1500x128xf32>
    %sub3A_26 = vector.broadcast %slice3A_10 : vector<1x128xf32> to vector<1500x128xf32>
    %sub3A_27 = arith.subf %sub3A_25, %sub3A_26 : vector<1500x128xf32>
    %mul3A = arith.mulf %sub3A_15, %sub3A_15 : vector<1500x128xf32>
    %mul3A_28 = arith.mulf %sub3A_21, %sub3A_21 : vector<1500x128xf32>
    %add3A = arith.addf %mul3A, %mul3A_28 : vector<1500x128xf32>
    %mul3A_29 = arith.mulf %sub3A_27, %sub3A_27 : vector<1500x128xf32>
    %add3A_30 = arith.addf %add3A, %mul3A_29 : vector<1500x128xf32>
    %swap3A = arith.constant 0 : index
    %swap3A_31 = arith.constant 0 : index
    %swap3A_32 = vector.load %arg11[%swap3A, %swap3A_31] : memref<1500x128xf32, #tpu.memory_space<vmem>>, vector<1500x128xf32>
    tpu.vector_store %arg11[%swap3A, %swap3A_31], %add3A_30 {strides = array<i32>} : memref<1500x128xf32, #tpu.memory_space<vmem>>, vector<1500x128xf32>,
    %broadcast_in_dim3A = arith.constant 0 : i32
    %broadcast_in_dim3A_33 = vector.broadcast %broadcast_in_dim3A : i32 to vector<1x128xi32>
    %broadcast_in_dim3A_34 = arith.constant 0 : i32
    %broadcast_in_dim3A_35 = vector.broadcast %broadcast_in_dim3A_34 : i32 to vector<1x1xi32>
    %while3A = arith.constant 0x7F800000 : f32
    %while3A_36:2 = scf.while (%while3A_187 = %broadcast_in_dim3A_35, %while3A_188 = %broadcast_in_dim3A_33) : (vector<1x1xi32>, vector<1x128xi32>) -> (vector<1x1xi32>, vector<1x128xi32>) {
      %squeeze3A = vector.extract %while3A_187[0, 0] : i32 from vector<1x1xi32>
      %lt3A = arith.constant 128 : i32
      %lt3A_189 = arith.cmpi slt, %squeeze3A, %lt3A : i32
      scf.condition(%lt3A_189) %while3A_187, %while3A_188 : vector<1x1xi32>, vector<1x128xi32>
    } do {
    ^bb0(%while3A_187: vector<1x1xi32>, %while3A_188: vector<1x128xi32>):
      %get3A_189 = arith.constant 0 : index
      %get3A_190 = arith.constant 0 : index
      %get3A_191 = vector.load %arg11[%get3A_189, %get3A_190] : memref<1500x128xf32, #tpu.memory_space<vmem>>, vector<1500x128xf32>
      %reduce_min3A = arith.constant dense<0x7F800000> : vector<128xf32>
      %reduce_min3A_192 = vector.multi_reduction <minimumf>, %get3A_191, %reduce_min3A [0] : vector<1500x128xf32> to vector<128xf32>
      %broadcast_in_dim3A_193 = vector.shape_cast %reduce_min3A_192 : vector<128xf32> to vector<1x128xf32>
      %le3A = vector.broadcast %broadcast_in_dim3A_193 : vector<1x128xf32> to vector<1500x128xf32>
      %le3A_194 = arith.cmpf ole, %get3A_191, %le3A : vector<1500x128xf32>
      %jit3A_195 = arith.constant 4194304 : i32
      %broadcast_in_dim3A_196 = vector.shape_cast %iota3A_1 : vector<1500x1xi32> to vector<1500x1xi32>
      %broadcast_in_dim3A_197 = vector.broadcast %broadcast_in_dim3A_196 : vector<1500x1xi32> to vector<1500x128xi32>
      %broadcast_in_dim3A_198 = vector.broadcast %jit3A_195 : i32 to vector<1500x128xi32>
      %select_n3A_199 = arith.select %le3A_194, %broadcast_in_dim3A_197, %broadcast_in_dim3A_198 : vector<1500x128xi1>, vector<1500x128xi32>
      %reduce_min3A_200 = arith.constant dense<2147483647> : vector<128xi32>
      %reduce_min3A_201 = vector.multi_reduction <minsi>, %select_n3A_199, %reduce_min3A_200 [0] : vector<1500x128xi32> to vector<128xi32>
      %broadcast_in_dim3A_202 = vector.shape_cast %reduce_min3A_201 : vector<128xi32> to vector<1x128xi32>
      %ge3A = vector.broadcast %while3A_187 : vector<1x1xi32> to vector<1x128xi32>
      %ge3A_203 = arith.cmpi sge, %iota3A, %ge3A : vector<1x128xi32>
      %ge3A_204 = vector.broadcast %while3A_187 : vector<1x1xi32> to vector<128x1xi32>
      %ge3A_205 = arith.cmpi sge, %iota3A_0, %ge3A_204 : vector<128x1xi32>
      %eq3A_206 = vector.broadcast %broadcast_in_dim3A_202 : vector<1x128xi32> to vector<1500x128xi32>
      %eq3A_207 = arith.cmpi eq, %select_n3A_199, %eq3A_206 : vector<1500x128xi32>
      %and3A = vector.broadcast %ge3A_203 : vector<1x128xi1> to vector<1500x128xi1>
      %and3A_208 = arith.andi %eq3A_207, %and3A : vector<1500x128xi1>
      %convert_element_type3A_209 = arith.extui %and3A_208 : vector<1500x128xi1> to vector<1500x128xi32>
      %convert_element_type3A_210 = arith.sitofp %convert_element_type3A_209 : vector<1500x128xi32> to vector<1500x128xf32>
      %dot_general3A_211 = arith.constant dense<0.000000e+00> : vector<128x1xf32>
      %dot_general3A_212 = tpu.matmul %convert_element_type3A_210, %convert_element_type3A, %dot_general3A_211 {dimension_numbers = #tpu.dot_dimension_numbers<[0], [0], [1], [1], [0, 1, 1, 1], [], []>, precision = #tpu.contract_precision<fp32>, transpose_lhs_hint = false} : vector<1500x128xf32>, vector<1500x1xf32>, vector<128x1xf32> -> vector<128x1xf32>
      %convert_element_type3A_213 = arith.sitofp %broadcast_in_dim3A_202 : vector<1x128xi32> to vector<1x128xf32>
      %eq3A_214 = vector.broadcast %dot_general3A_212 : vector<128x1xf32> to vector<128x128xf32>
      %eq3A_215 = vector.broadcast %convert_element_type3A_213 : vector<1x128xf32> to vector<128x128xf32>
      %eq3A_216 = arith.cmpf oeq, %eq3A_214, %eq3A_215 : vector<128x128xf32>
      %and3A_217 = vector.broadcast %ge3A_205 : vector<128x1xi1> to vector<128x128xi1>
      %and3A_218 = arith.andi %eq3A_216, %and3A_217 : vector<128x128xi1>
      %lt3A = vector.broadcast %iota3A_0 : vector<128x1xi32> to vector<128x128xi32>
      %lt3A_219 = vector.broadcast %iota3A : vector<1x128xi32> to vector<128x128xi32>
      %lt3A_220 = arith.cmpi slt, %lt3A, %lt3A_219 : vector<128x128xi32>
      %and3A_221 = arith.andi %and3A_218, %lt3A_220 : vector<128x128xi1>
      %reduce_or3A = arith.constant 1.000000e+00 : f32
      %reduce_or3A_222 = arith.constant 0.000000e+00 : f32
      %reduce_or3A_223 = vector.broadcast %reduce_or3A : f32 to vector<128x128xf32>
      %reduce_or3A_224 = vector.broadcast %reduce_or3A_222 : f32 to vector<128x128xf32>
      %reduce_or3A_225 = arith.select %and3A_221, %reduce_or3A_223, %reduce_or3A_224 : vector<128x128xi1>, vector<128x128xf32>
      %reduce_or3A_226 = arith.constant dense<0xFF800000> : vector<128xf32>
      %reduce_or3A_227 = vector.multi_reduction <maximumf>, %reduce_or3A_225, %reduce_or3A_226 [0] : vector<128x128xf32> to vector<128xf32>
      %reduce_or3A_228 = arith.constant 0.000000e+00 : f32
      %reduce_or3A_229 = vector.broadcast %reduce_or3A_228 : f32 to vector<128xf32>
      %reduce_or3A_230 = arith.cmpf ogt, %reduce_or3A_227, %reduce_or3A_229 : vector<128xf32>
      %broadcast_in_dim3A_231 = vector.shape_cast %reduce_or3A_230 : vector<128xi1> to vector<1x128xi1>
      %and3A_232 = arith.andi %broadcast_in_dim3A_231, %ge3A_203 : vector<1x128xi1>
      %jit3A_233 = arith.constant 128 : i32
      %broadcast_in_dim3A_234 = vector.broadcast %jit3A_233 : i32 to vector<1x128xi32>
      %select_n3A_235 = arith.select %and3A_232, %iota3A, %broadcast_in_dim3A_234 : vector<1x128xi1>, vector<1x128xi32>
      %reduce_min3A_236 = vector.shape_cast %select_n3A_235 : vector<1x128xi32> to vector<1x1x128xi32>
      %reduce_min3A_237 = arith.constant dense<2147483647> : vector<1xi32>
      %reduce_min3A_238 = vector.multi_reduction <minsi>, %reduce_min3A_236, %reduce_min3A_237 [1, 2] : vector<1x1x128xi32> to vector<1xi32>
      %reduce_min3A_239 = vector.shape_cast %reduce_min3A_238 : vector<1xi32> to vector<1x1x1xi32>
      %reduce_min3A_240 = vector.extract %reduce_min3A_239[0, 0, 0] : i32 from vector<1x1x1xi32>
      %broadcast_in_dim3A_241 = vector.broadcast %reduce_min3A_240 : i32 to vector<1x1xi32>
      %lt3A_242 = vector.broadcast %broadcast_in_dim3A_241 : vector<1x1xi32> to vector<1x128xi32>
      %lt3A_243 = arith.cmpi slt, %iota3A, %lt3A_242 : vector<1x128xi32>
      %and3A_244 = arith.andi %ge3A_203, %lt3A_243 : vector<1x128xi1>
      %lt3A_245 = vector.broadcast %broadcast_in_dim3A_241 : vector<1x1xi32> to vector<128x1xi32>
      %lt3A_246 = arith.cmpi slt, %iota3A_0, %lt3A_245 : vector<128x1xi32>
      %and3A_247 = arith.andi %ge3A_205, %lt3A_246 : vector<128x1xi1>
      %convert_element_type3A_248 = arith.extui %and3A_247 : vector<128x1xi1> to vector<128x1xi32>
      %convert_element_type3A_249 = arith.sitofp %convert_element_type3A_248 : vector<128x1xi32> to vector<128x1xf32>
      %select_n3A_250 = arith.select %and3A_244, %broadcast_in_dim3A_202, %while3A_188 : vector<1x128xi1>, vector<1x128xi32>
      %dot_general3A_251 = arith.constant dense<0.000000e+00> : vector<1500x1xf32>
      %dot_general3A_252 = tpu.matmul %convert_element_type3A_210, %convert_element_type3A_249, %dot_general3A_251 {dimension_numbers = #tpu.dot_dimension_numbers<[1], [0], [0], [1], [0, 0, 1, 1], [], []>, transpose_lhs_hint = false} : vector<1500x128xf32>, vector<128x1xf32>, vector<1500x1xf32> -> vector<1500x1xf32>
      %gt3A = arith.constant 0.000000e+00 : f32
      %gt3A_253 = vector.broadcast %gt3A : f32 to vector<1500x1xf32>
      %gt3A_254 = arith.cmpf ogt, %dot_general3A_252, %gt3A_253 : vector<1500x1xf32>
      %broadcast_in_dim3A_255 = vector.shape_cast %gt3A_254 : vector<1500x1xi1> to vector<1500x1xi1>
      %broadcast_in_dim3A_256 = vector.broadcast %broadcast_in_dim3A_255 : vector<1500x1xi1> to vector<1500x128xi1>
      %broadcast_in_dim3A_257 = vector.broadcast %while3A : f32 to vector<1500x128xf32>
      %select_n3A_258 = arith.select %broadcast_in_dim3A_256, %broadcast_in_dim3A_257, %get3A_191 : vector<1500x128xi1>, vector<1500x128xf32>
      %swap3A_259 = arith.constant 0 : index
      %swap3A_260 = arith.constant 0 : index
      %swap3A_261 = vector.load %arg11[%swap3A_259, %swap3A_260] : memref<1500x128xf32, #tpu.memory_space<vmem>>, vector<1500x128xf32>
      tpu.vector_store %arg11[%swap3A_259, %swap3A_260], %select_n3A_258 {strides = array<i32>} : memref<1500x128xf32, #tpu.memory_space<vmem>>, vector<1500x128xf32>,
      scf.yield %broadcast_in_dim3A_241, %select_n3A_250 : vector<1x1xi32>, vector<1x128xi32>
    }
    %eq3A_37 = vector.broadcast %iota3A_1 : vector<1500x1xi32> to vector<1500x128xi32>
    %eq3A_38 = vector.broadcast %while3A_36#1 : vector<1x128xi32> to vector<1500x128xi32>
    %eq3A_39 = arith.cmpi eq, %eq3A_37, %eq3A_38 : vector<1500x128xi32>
    %convert_element_type3A_40 = arith.extui %eq3A_39 : vector<1500x128xi1> to vector<1500x128xi32>
    %convert_element_type3A_41 = arith.sitofp %convert_element_type3A_40 : vector<1500x128xi32> to vector<1500x128xf32>
    %get3A_42 = arith.constant 0 : index
    %get3A_43 = arith.constant 0 : index
    %get3A_44 = vector.load %arg0[%get3A_42, %get3A_43] : memref<1500x13xf32, #tpu.memory_space<vmem>>, vector<1500x13xf32>
    %get3A_45 = arith.constant 0 : index
    %get3A_46 = arith.constant 0 : index
    %get3A_47 = vector.load %arg1[%get3A_45, %get3A_46] : memref<1500x10xf32, #tpu.memory_space<vmem>>, vector<1500x10xf32>
    %get3A_48 = arith.constant 0 : index
    %get3A_49 = arith.constant 0 : index
    %get3A_50 = vector.load %arg2[%get3A_48, %get3A_49] : memref<1500x8xf32, #tpu.memory_space<vmem>>, vector<1500x8xf32>
    %concatenate3A = tpu.concatenate %get3A_44, %get3A_47, %get3A_50 in 1 : vector<1500x13xf32>, vector<1500x10xf32>, vector<1500x8xf32> -> vector<1500x31xf32>
    %dot_general3A_51 = arith.constant dense<0.000000e+00> : vector<31x128xf32>
    %dot_general3A_52 = tpu.matmul %concatenate3A, %convert_element_type3A_41, %dot_general3A_51 {dimension_numbers = #tpu.dot_dimension_numbers<[0], [0], [1], [1], [0, 1, 1, 1], [], []>, precision = #tpu.contract_precision<fp32>, transpose_lhs_hint = false} : vector<1500x31xf32>, vector<1500x128xf32>, vector<31x128xf32> -> vector<31x128xf32>
    %slice3A_53 = vector.extract_strided_slice %dot_general3A_52 {offsets = [0, 0], sizes = [13, 128], strides = [1, 1]} : vector<31x128xf32> to vector<13x128xf32>
    %slice3A_54 = vector.extract_strided_slice %dot_general3A_52 {offsets = [13, 0], sizes = [10, 128], strides = [1, 1]} : vector<31x128xf32> to vector<10x128xf32>
    %slice3A_55 = vector.extract_strided_slice %dot_general3A_52 {offsets = [23, 0], sizes = [8, 128], strides = [1, 1]} : vector<31x128xf32> to vector<8x128xf32>
    %sub3A_56 = arith.subf %slice3A_53, %dot_general3A_8 : vector<13x128xf32>
    %mul3A_57 = arith.mulf %sub3A_56, %sub3A_56 : vector<13x128xf32>
    %reduce_sum3A = vector.shape_cast %mul3A_57 : vector<13x128xf32> to vector<1x13x128xf32>
    %reduce_sum3A_58 = arith.constant dense<0.000000e+00> : vector<1xf32>
    %reduce_sum3A_59 = vector.multi_reduction <add>, %reduce_sum3A, %reduce_sum3A_58 [1, 2] : vector<1x13x128xf32> to vector<1xf32>
    %reduce_sum3A_60 = vector.shape_cast %reduce_sum3A_59 : vector<1xf32> to vector<1x1x1xf32>
    %reduce_sum3A_61 = vector.extract %reduce_sum3A_60[0, 0, 0] : f32 from vector<1x1x1xf32>
    %div3A = arith.constant 1.664000e+03 : f32
    %div3A_62 = arith.divf %reduce_sum3A_61, %div3A : f32
    %reduce_max3A = arith.constant dense<0xFF800000> : vector<128xf32>
    %reduce_max3A_63 = vector.multi_reduction <maximumf>, %slice3A_54, %reduce_max3A [0] : vector<10x128xf32> to vector<128xf32>
    %broadcast_in_dim3A_64 = vector.shape_cast %reduce_max3A_63 : vector<128xf32> to vector<1x128xf32>
    %sub3A_65 = vector.broadcast %broadcast_in_dim3A_64 : vector<1x128xf32> to vector<10x128xf32>
    %sub3A_66 = arith.subf %slice3A_54, %sub3A_65 : vector<10x128xf32>
    %exp3A = math.exp %sub3A_66 : vector<10x128xf32>
    %reduce_sum3A_67 = arith.constant dense<0.000000e+00> : vector<128xf32>
    %reduce_sum3A_68 = vector.multi_reduction <add>, %exp3A, %reduce_sum3A_67 [0] : vector<10x128xf32> to vector<128xf32>
    %broadcast_in_dim3A_69 = vector.shape_cast %reduce_sum3A_68 : vector<128xf32> to vector<1x128xf32>
    %log3A = math.log %broadcast_in_dim3A_69 : vector<1x128xf32>
    %add3A_70 = arith.addf %broadcast_in_dim3A_64, %log3A : vector<1x128xf32>
    %iota3A_71 = tpu.iota {dimensions = array<i32: 0>} : vector<10x128xi32>
    %get3A_72 = arith.constant 0 : index
    %get3A_73 = vector.load %arg5[%get3A_72] : memref<128xi32, #tpu.memory_space<vmem>>, vector<128xi32>
    %reshape3A = vector.shape_cast %get3A_73 : vector<128xi32> to vector<1x128xi32>
    %eq3A_74 = vector.broadcast %reshape3A : vector<1x128xi32> to vector<10x128xi32>
    %eq3A_75 = arith.cmpi eq, %iota3A_71, %eq3A_74 : vector<10x128xi32>
    %convert_element_type3A_76 = arith.extui %eq3A_75 : vector<10x128xi1> to vector<10x128xi32>
    %convert_element_type3A_77 = arith.sitofp %convert_element_type3A_76 : vector<10x128xi32> to vector<10x128xf32>
    %reduce_sum3A_78 = vector.shape_cast %add3A_70 : vector<1x128xf32> to vector<1x1x128xf32>
    %reduce_sum3A_79 = arith.constant dense<0.000000e+00> : vector<1xf32>
    %reduce_sum3A_80 = vector.multi_reduction <add>, %reduce_sum3A_78, %reduce_sum3A_79 [1, 2] : vector<1x1x128xf32> to vector<1xf32>
    %reduce_sum3A_81 = vector.shape_cast %reduce_sum3A_80 : vector<1xf32> to vector<1x1x1xf32>
    %reduce_sum3A_82 = vector.extract %reduce_sum3A_81[0, 0, 0] : f32 from vector<1x1x1xf32>
    %mul3A_83 = arith.mulf %slice3A_54, %convert_element_type3A_77 : vector<10x128xf32>
    %reduce_sum3A_84 = vector.shape_cast %mul3A_83 : vector<10x128xf32> to vector<1x10x128xf32>
    %reduce_sum3A_85 = arith.constant dense<0.000000e+00> : vector<1xf32>
    %reduce_sum3A_86 = vector.multi_reduction <add>, %reduce_sum3A_84, %reduce_sum3A_85 [1, 2] : vector<1x10x128xf32> to vector<1xf32>
    %reduce_sum3A_87 = vector.shape_cast %reduce_sum3A_86 : vector<1xf32> to vector<1x1x1xf32>
    %reduce_sum3A_88 = vector.extract %reduce_sum3A_87[0, 0, 0] : f32 from vector<1x1x1xf32>
    %sub3A_89 = arith.subf %reduce_sum3A_82, %reduce_sum3A_88 : f32
    %div3A_90 = arith.constant 1.280000e+02 : f32
    %div3A_91 = arith.divf %sub3A_89, %div3A_90 : f32
    %get3A_92 = arith.constant 0 : index
    %get3A_93 = arith.constant 0 : index
    %get3A_94 = vector.load %arg4[%get3A_92, %get3A_93] : memref<128x8xf32, #tpu.memory_space<vmem>>, vector<128x8xf32>
    %dot_general3A_95 = arith.constant dense<0.000000e+00> : vector<8x128xf32>
    %dot_general3A_96 = tpu.matmul %get3A_94, %convert_element_type3A_5, %dot_general3A_95 {dimension_numbers = #tpu.dot_dimension_numbers<[0], [0], [1], [1], [0, 1, 1, 1], [], []>, precision = #tpu.contract_precision<fp32>, transpose_lhs_hint = false} : vector<128x8xf32>, vector<128x128xf32>, vector<8x128xf32> -> vector<8x128xf32>
    %jit3A = arith.constant 1.000000e-07 : f32
    %jit3A_97 = arith.constant 0.99999988 : f32
    %max3A = vector.broadcast %jit3A : f32 to vector<8x128xf32>
    %max3A_98 = arith.maximumf %max3A, %slice3A_55 : vector<8x128xf32>
    %min3A = vector.broadcast %jit3A_97 : f32 to vector<8x128xf32>
    %min3A_99 = arith.minimumf %min3A, %max3A_98 : vector<8x128xf32>
    %log3A_100 = math.log %min3A_99 : vector<8x128xf32>
    %mul3A_101 = arith.mulf %dot_general3A_96, %log3A_100 : vector<8x128xf32>
    %sub3A_102 = arith.constant 1.000000e+00 : f32
    %sub3A_103 = vector.broadcast %sub3A_102 : f32 to vector<8x128xf32>
    %sub3A_104 = arith.subf %sub3A_103, %dot_general3A_96 : vector<8x128xf32>
    %sub3A_105 = arith.constant 1.000000e+00 : f32
    %sub3A_106 = vector.broadcast %sub3A_105 : f32 to vector<8x128xf32>
    %sub3A_107 = arith.subf %sub3A_106, %min3A_99 : vector<8x128xf32>
    %log3A_108 = math.log %sub3A_107 : vector<8x128xf32>
    %mul3A_109 = arith.mulf %sub3A_104, %log3A_108 : vector<8x128xf32>
    %add3A_110 = arith.addf %mul3A_101, %mul3A_109 : vector<8x128xf32>
    %neg3A = arith.constant 0.000000e+00 : f32
    %neg3A_111 = vector.broadcast %neg3A : f32 to vector<8x128xf32>
    %neg3A_112 = arith.subf %neg3A_111, %add3A_110 : vector<8x128xf32>
    %reduce_sum3A_113 = vector.shape_cast %neg3A_112 : vector<8x128xf32> to vector<1x8x128xf32>
    %reduce_sum3A_114 = arith.constant dense<0.000000e+00> : vector<1xf32>
    %reduce_sum3A_115 = vector.multi_reduction <add>, %reduce_sum3A_113, %reduce_sum3A_114 [1, 2] : vector<1x8x128xf32> to vector<1xf32>
    %reduce_sum3A_116 = vector.shape_cast %reduce_sum3A_115 : vector<1xf32> to vector<1x1x1xf32>
    %reduce_sum3A_117 = vector.extract %reduce_sum3A_116[0, 0, 0] : f32 from vector<1x1x1xf32>
    %div3A_118 = arith.constant 1.024000e+03 : f32
    %div3A_119 = arith.divf %reduce_sum3A_117, %div3A_118 : f32
    %iota3A_120 = tpu.iota {dimensions = array<i32: 1>} : vector<1500x8xi32>
    %get3A_121 = arith.constant 0 : index
    %get3A_122 = arith.constant 0 : index
    %get3A_123 = vector.load %arg2[%get3A_121, %get3A_122] : memref<1500x8xf32, #tpu.memory_space<vmem>>, vector<1500x8xf32>
    %jit3A_124 = arith.constant 1.000000e-07 : f32
    %jit3A_125 = arith.constant 0.99999988 : f32
    %max3A_126 = vector.broadcast %jit3A_124 : f32 to vector<1500x8xf32>
    %max3A_127 = arith.maximumf %max3A_126, %get3A_123 : vector<1500x8xf32>
    %min3A_128 = vector.broadcast %jit3A_125 : f32 to vector<1500x8xf32>
    %min3A_129 = arith.minimumf %min3A_128, %max3A_127 : vector<1500x8xf32>
    %eq3A_130 = arith.constant 0 : i32
    %eq3A_131 = vector.broadcast %eq3A_130 : i32 to vector<1500x8xi32>
    %eq3A_132 = arith.cmpi eq, %iota3A_120, %eq3A_131 : vector<1500x8xi32>
    %sub3A_133 = arith.constant 1.000000e+00 : f32
    %sub3A_134 = vector.broadcast %sub3A_133 : f32 to vector<1500x8xf32>
    %sub3A_135 = arith.subf %sub3A_134, %min3A_129 : vector<1500x8xf32>
    %log3A_136 = math.log %sub3A_135 : vector<1500x8xf32>
    %neg3A_137 = arith.constant 0.000000e+00 : f32
    %neg3A_138 = vector.broadcast %neg3A_137 : f32 to vector<1500x8xf32>
    %neg3A_139 = arith.subf %neg3A_138, %log3A_136 : vector<1500x8xf32>
    %jit3A_140 = arith.constant 0.000000e+00 : f32
    %broadcast_in_dim3A_141 = vector.broadcast %jit3A_140 : f32 to vector<1500x8xf32>
    %select_n3A = arith.select %eq3A_132, %neg3A_139, %broadcast_in_dim3A_141 : vector<1500x8xi1>, vector<1500x8xf32>
    %reduce_sum3A_142 = vector.shape_cast %select_n3A : vector<1500x8xf32> to vector<1x1500x8xf32>
    %reduce_sum3A_143 = arith.constant dense<0.000000e+00> : vector<1xf32>
    %reduce_sum3A_144 = vector.multi_reduction <add>, %reduce_sum3A_142, %reduce_sum3A_143 [1, 2] : vector<1x1500x8xf32> to vector<1xf32>
    %reduce_sum3A_145 = vector.shape_cast %reduce_sum3A_144 : vector<1xf32> to vector<1x1x1xf32>
    %reduce_sum3A_146 = vector.extract %reduce_sum3A_145[0, 0, 0] : f32 from vector<1x1x1xf32>
    %slice3A_147 = vector.extract_strided_slice %slice3A_55 {offsets = [0, 0], sizes = [1, 128], strides = [1, 1]} : vector<8x128xf32> to vector<1x128xf32>
    %jit3A_148 = arith.constant 1.000000e-07 : f32
    %jit3A_149 = arith.constant 0.99999988 : f32
    %max3A_150 = vector.broadcast %jit3A_148 : f32 to vector<1x128xf32>
    %max3A_151 = arith.maximumf %max3A_150, %slice3A_147 : vector<1x128xf32>
    %min3A_152 = vector.broadcast %jit3A_149 : f32 to vector<1x128xf32>
    %min3A_153 = arith.minimumf %min3A_152, %max3A_151 : vector<1x128xf32>
    %sub3A_154 = arith.constant 1.000000e+00 : f32
    %sub3A_155 = vector.broadcast %sub3A_154 : f32 to vector<1x128xf32>
    %sub3A_156 = arith.subf %sub3A_155, %min3A_153 : vector<1x128xf32>
    %log3A_157 = math.log %sub3A_156 : vector<1x128xf32>
    %log3A_158 = math.log %min3A_153 : vector<1x128xf32>
    %sub3A_159 = arith.subf %log3A_157, %log3A_158 : vector<1x128xf32>
    %reduce_sum3A_160 = vector.shape_cast %sub3A_159 : vector<1x128xf32> to vector<1x1x128xf32>
    %reduce_sum3A_161 = arith.constant dense<0.000000e+00> : vector<1xf32>
    %reduce_sum3A_162 = vector.multi_reduction <add>, %reduce_sum3A_160, %reduce_sum3A_161 [1, 2] : vector<1x1x128xf32> to vector<1xf32>
    %reduce_sum3A_163 = vector.shape_cast %reduce_sum3A_162 : vector<1xf32> to vector<1x1x1xf32>
    %reduce_sum3A_164 = vector.extract %reduce_sum3A_163[0, 0, 0] : f32 from vector<1x1x1xf32>
    %add3A_165 = arith.addf %reduce_sum3A_146, %reduce_sum3A_164 : f32
    %div3A_166 = arith.constant 1.500000e+03 : f32
    %div3A_167 = arith.divf %add3A_165, %div3A_166 : f32
    %mul3A_168 = arith.constant 5.000000e-01 : f32
    %mul3A_169 = arith.mulf %mul3A_168, %div3A_91 : f32
    %add3A_170 = arith.addf %div3A_62, %mul3A_169 : f32
    %mul3A_171 = arith.constant 5.000000e-01 : f32
    %mul3A_172 = arith.mulf %mul3A_171, %div3A_119 : f32
    %add3A_173 = arith.addf %add3A_170, %mul3A_172 : f32
    %mul3A_174 = arith.constant 2.000000e+00 : f32
    %mul3A_175 = arith.mulf %mul3A_174, %div3A_167 : f32
    %add3A_176 = arith.addf %add3A_173, %mul3A_175 : f32
    %swap3A_177 = arith.constant 0 : index
    %swap3A_178 = memref.load %arg6[%swap3A_177] : memref<1xf32, #tpu.memory_space<smem>>
    memref.store %add3A_176, %arg6[%swap3A_177] : memref<1xf32, #tpu.memory_space<smem>>
    %swap3A_179 = arith.constant 0 : index
    %swap3A_180 = memref.load %arg7[%swap3A_179] : memref<1xf32, #tpu.memory_space<smem>>
    memref.store %div3A_62, %arg7[%swap3A_179] : memref<1xf32, #tpu.memory_space<smem>>
    %swap3A_181 = arith.constant 0 : index
    %swap3A_182 = memref.load %arg8[%swap3A_181] : memref<1xf32, #tpu.memory_space<smem>>
    memref.store %div3A_91, %arg8[%swap3A_181] : memref<1xf32, #tpu.memory_space<smem>>
    %swap3A_183 = arith.constant 0 : index
    %swap3A_184 = memref.load %arg9[%swap3A_183] : memref<1xf32, #tpu.memory_space<smem>>
    memref.store %div3A_119, %arg9[%swap3A_183] : memref<1xf32, #tpu.memory_space<smem>>
    %swap3A_185 = arith.constant 0 : index
    %swap3A_186 = memref.load %arg10[%swap3A_185] : memref<1xf32, #tpu.memory_space<smem>>
    memref.store %div3A_167, %arg10[%swap3A_185] : memref<1xf32, #tpu.memory_space<smem>>
    return
  }
}

</mosaic_0001>

<sc_bundles>
// kernel: kernel.4.cloned.1.call-start
scs
__scs_entry_jumppad:
0x0: {  	(pc) =	sbr.rel $0x88, $3  }
0x1: {  	(tag) =	ssettag $0x0;
	lr =	simm.s32 $0x1  }
0x2: {  	[smem:$0x3F9B] =	sst lr;
	_ =	strace $0xD0000000  }
0x3: {  	_ = 	snop  }
0x4: {  	_ = 	snop  }
0x5: {  	_ = 	snop  }
0x6: {  	_ = 	snop  }
0x7: {  	_ = 	snop  }
__scs_overlays_trampoline_lowered:
0x8: {  	[smem:$0x3FAA] =	sst s0  }
0x9: {  	[smem:$0x3FAB] =	sst s1  }
0xa: {  	[smem:$0x3FAC] =	sst s2  }
0xb: {  	[smem:$0x3FAD] =	sst s3  }
0xc: {  	[smem:$0x3FAE] =	sst s4  }
0xd: {  	[smem:$0x3FAF] =	sst s5  }
0xe: {  	[smem:$0x3FB0] =	sst s6  }
0xf: {  	[smem:$0x3FB1] =	sst s7  }
0x10: {  	[smem:$0x3FB2] =	sst s8  }
0x11: {  	[smem:$0x3FB3] =	sst s9;
	s0 =	simm.s32 @!p0 $0x0  }
0x12: {  	s1 =	sld [smem:$0x3F99];
	s0 =	simm.s32 @p0 $0x1  }
0x13: {  	[smem:$0x3FB4] =	sst s0;
	s0 =	simm.s32 @!p1 $0x0  }
0x14: {  	s2 =	sld [smem:$0x3F98];
	s0 =	simm.s32 @p1 $0x1  }
0x15: {  	[smem:$0x3FB5] =	sst s0;
	s0 =	simm.s32 @!p2 $0x0  }
0x16: {  	s3 =	sld [smem:$0x3FDB];
	s0 =	simm.s32 @p2 $0x1  }
0x17: {  	s4 =	simm.s32 $0x1BF5;
	[smem:$0x3FB7] =	sst s0  }
0x18: {  	s0 =	sld [smem:$0x3F9A];
	_ =	swait.ge [sflag:s4], $0x0  }
0x19: {  	s7 =	sld [smem:$0x3F9B]  }
0x1a: {  	s8 =	sadd.s32 $0xFFFFE003, lr  }
0x1b: {  	s9 =	sadd.s32 $0xFFFFFEF7, lr;
	s5 =	simm.s32 $0xFFFFFFFF;
	p2 =	slt.u32 s8, $0xFFFFF086  }
0x1c: {  	p1 =	slt.u32 s9, $0xF7A;
	s5 =	simm.s32 @!p2 $0x0  }
0x1d: {  	s5 =	simm.s32 @p1 $0x1;
	p0 =	seq.s32 s7, s2  }
0x1e: {  	s7 =	smul.u32 @!p0 $0xF7A, s2;
	p2 =	seq.s32 @!p0 s5, $0x0  }
0x1f: {  	s9 =	smul.u32 $0xF7A, s1;
	s8 =	simm.s32 @!p0 $0x1BF5;
	p2 =	por !p2, p0  }
0x20: {  	[sflag:s8] =	ssyncset.s32 @!p0 $0xFFFFF086;
	s6 =	sadd.s32 @!p0 s3, s7;
	s7 =	simm.s32 @!p0 $0x108  }
0x21: {  	s3 =	sadd.s32 s3, s9;
	s6 =	sadd.s32 @!p0 $0x88, s6;
	s7 =	simm.s32 @p2 $0x1082  }
0x22: {  	[simem:s7], [sflag:s8] =	dma.local @!p0 [hbm:s6], $0xF7A  }
0x23: {  	s9 =	sor.u32 $0xD0000000, s2;
	s6 =	simm.s32 $0x108;
	_ =	swait.ge @!p0 [sflag:s8], $0x0  }
0x24: {  	s3 =	sadd.s32 $0x88, s3;
	s6 =	simm.s32 @!p1 $0x1082;
	[sflag:s4] =	ssyncset.s32 $0xFFFFF086  }
0x25: {  	[simem:s6], [sflag:s4] =	dma.local [hbm:s3], $0xF7A  }
0x26: {  	[smem:$0x3F9B] =	sst s1;
	(tag) =	ssettag s2;
	_ =	strace s9  }
0x27: {  	s1 =	sld [smem:$0x3FAB]  }
0x28: {  	s2 =	sld [smem:$0x3FAC]  }
0x29: {  	s4 =	sld [smem:$0x3FAE]  }
0x2a: {  	p0 =	seq.s32 s5, $0x0;
	s5 =	sld [smem:$0x3FAF]  }
0x2b: {  	s6 =	sld [smem:$0x3FB0]  }
0x2c: {  	s7 =	sld [smem:$0x3FB1]  }
0x2d: {  	s3 =	simm.s32 $0x108;
	s8 =	sld [smem:$0x3FB2]  }
0x2e: {  	s3 =	simm.s32 @!p0 $0x1082;
	s9 =	sld [smem:$0x3FB3]  }
0x2f: {  	lr =	sadd.s32 s0, s3;
	s0 =	sld [smem:$0x3FAA]  }
0x30: {  	s3 =	sld [smem:$0x3FAD]  }
0x31: {  	[smem:$0x3FB6] =	sst s10  }
0x32: {  	s10 =	sld [smem:$0x3FB4];
	_ =	sdelay $0x3  }
0x33: {  	p0 =	seq.s32 s10, $0x1;
	s10 =	sld [smem:$0x3FB6];
	_ =	sdelay $0x3  }
0x34: {  	[smem:$0x3FB6] =	sst s10  }
0x35: {  	s10 =	sld [smem:$0x3FB5];
	_ =	sdelay $0x3  }
0x36: {  	p1 =	seq.s32 s10, $0x1;
	s10 =	sld [smem:$0x3FB6];
	_ =	sdelay $0x3  }
0x37: {  	[smem:$0x3FB6] =	sst s10  }
0x38: {  	s10 =	sld [smem:$0x3FB7]  }
0x39: {  	_ = 	snop;
	(pc) =	sbr.ind lr, $3  }
0x3a: {  	_ = 	snop  }
0x3b: {  	_ = 	snop  }
0x3c: {  	p2 =	seq.s32 s10, $0x1;
	s10 =	sld [smem:$0x3FB6]  }
0x3d: {  	_ =	shalt  }
0x3e: {  	_ =	shalt  }
0x3f: {  	_ =	shalt  }
0x40: {  	_ =	shalt  }
0x41: {  	_ =	shalt  }
0x42: {  	_ =	shalt  }
0x43: {  	_ =	shalt  }
0x44: {  	_ =	shalt  }
0x45: {  	_ =	shalt  }
0x46: {  	_ =	shalt  }
0x47: {  	_ =	shalt  }
0x48: {  	_ =	shalt  }
0x49: {  	_ =	shalt  }
0x4a: {  	_ =	shalt  }
0x4b: {  	_ =	shalt  }
0x4c: {  	_ =	shalt  }
0x4d: {  	_ =	shalt  }
0x4e: {  	_ =	shalt  }
0x4f: {  	_ =	shalt  }
0x50: {  	_ =	shalt  }
0x51: {  	_ =	shalt  }
0x52: {  	_ =	shalt  }
0x53: {  	_ =	shalt  }
0x54: {  	_ =	shalt  }
0x55: {  	_ =	shalt  }
0x56: {  	_ =	shalt  }
0x57: {  	_ =	shalt  }
0x58: {  	_ =	shalt  }
0x59: {  	_ =	shalt  }
0x5a: {  	_ =	shalt  }
0x5b: {  	_ =	shalt  }
0x5c: {  	_ =	shalt  }
0x5d: {  	_ =	shalt  }
0x5e: {  	_ =	shalt  }
0x5f: {  	_ =	shalt  }
0x60: {  	_ =	shalt  }
0x61: {  	_ =	shalt  }
0x62: {  	_ =	shalt  }
0x63: {  	_ =	shalt  }
0x64: {  	_ =	shalt  }
0x65: {  	_ =	shalt  }
0x66: {  	_ =	shalt  }
0x67: {  	_ =	shalt  }
0x68: {  	_ =	shalt  }
0x69: {  	_ =	shalt  }
0x6a: {  	_ =	shalt  }
0x6b: {  	_ =	shalt  }
0x6c: {  	_ =	shalt  }
0x6d: {  	_ =	shalt  }
0x6e: {  	_ =	shalt  }
0x6f: {  	_ =	shalt  }
0x70: {  	_ =	shalt  }
0x71: {  	_ =	shalt  }
0x72: {  	_ =	shalt  }
0x73: {  	_ =	shalt  }
0x74: {  	_ =	shalt  }
0x75: {  	_ =	shalt  }
0x76: {  	_ =	shalt  }
0x77: {  	_ =	shalt  }
0x78: {  	_ =	shalt  }
0x79: {  	_ =	shalt  }
0x7a: {  	_ =	shalt  }
0x7b: {  	_ =	shalt  }
0x7c: {  	_ =	shalt  }
0x7d: {  	_ =	shalt  }
0x7e: {  	_ =	shalt  }
0x7f: {  	_ =	shalt  }
0x80: {  	_ =	shalt  }
0x81: {  	_ =	shalt  }
0x82: {  	_ =	shalt  }
0x83: {  	_ =	shalt  }
0x84: {  	_ =	shalt  }
0x85: {  	_ =	shalt  }
0x86: {  	_ =	shalt  }
0x87: {  	_ =	shalt  }
.Lfunc_end0:
.L_simem_size_0:
called_computation_lowered:
.L_overlay_start_0:
0x88: {  	s2 =	sld [smem:$0x3FD9]  }
0x89: {  	s3 =	sld [smem:$0x3FFE];
	_ =	sdelay $0x1  }
0x8a: {  	s1 =	srdreg.scid  }
0x8b: {  	s0 =	sand.u32 $0x1, s1  }
0x8c: {  	s16 =	sshll.u32 s0, $0xA;
	s2 =	sadd.s32 s3, s2  }
0x8d: {  	s2 =	sadd.s32 s2, s16  }
0x8e: {  	[smem:$0x3FC2] =	sst s2  }
0x8f: {  	_ = 	snop  }
0x90: {  	(tm) =	ssettm $0x1  }
0x91: {  	s17 =	sld [smem:$0x3FFB];
	_ =	sdelay $0x3  }
0x92: {  	_ =	strace s17  }
0x93: {  	s2 =	sld [smem:$0x3FFC];
	_ =	sdelay $0x3  }
0x94: {  	_ =	strace s2  }
0x95: {  	s2 =	sld [smem:$0x3FFD];
	_ =	sdelay $0x3  }
0x96: {  	_ =	strace s2  }
0x97: {  	_ =	strace $0x8FFFFFFF  }
0x98: {  	s18 =	sld [smem:$0x3FDB];
	_ =	sdelay $0x1  }
0x99: {  	s19 =	simm.s32 $_scs_section_size  }
0x9a: {  	s4 =	simm.s32 $_size__tile_overlayer_lowered;
	s5 =	simm.s32 $_tile_overlayer_lowered  }
0x9b: {  	s22 =	simm.s32 $0x1BFF;
	s21 =	sshll.u32 s5, $0x1;
	s2 =	sadd.s32 s19, s18  }
0x9c: {  	s6 =	simm.s32 $0x0;
	s20 =	sshll.u32 s4, $0x1;
	s4 =	sadd.s32 s21, s2  }
0x9d: {  	[timem:s6], [sflag:s22] =	dma.local [hbm:s4], s20  }
0x9e: {  	_ =	swait.ge [sflag:s22], s20  }
0x9f: {  	s3 =	ssub.s32 $0x0, s20;
	[sflag:s22] =	ssyncset.done $0x0  }
0xa0: {  	[sflag:s22] =	ssyncadd.s32 s3;
	_ =	sdelay $0x1  }
0xa1: {  	s23 =	simm.s32 $0x1B8B  }
0xa2: {  	_ =	swait.ge [sflag:s23], $0x1  }
0xa3: {  	[sflag:s23] =	ssyncset.done $0x0  }
0xa4: {  	s25 =	simm.s32 $0x1B8E;
	s24 =	sld [smem:$0x3FFE];
	[sflag:s23] =	ssyncadd.s32 $0xFFFFFFFF  }
0xa5: {  	s26 =	simm.s32 $execute0_lowered;
	[smem:$0x3FD2] =	sst s25  }
0xa6: {  	s4 =	sshll.u32 s26, $0x1;
	_ =	strace $0x80000046;
	[dreg:$0x1] =	wrdreg $0xFFFFFFFF  }
0xa7: {  	s28 =	simm.s32 $_size_execute0_lowered;
	s2 =	sadd.s32 s2, s4;
	[dreg:$0x0] =	wrdreg $0x0  }
0xa8: {  	s4 =	sshll.u32 s28, $0x1;
	[dreg:$0x2] =	wrdreg s2  }
0xa9: {  	[dreg:$0x3] =	wrdreg s4  }
0xaa: {  	[dreg:$0x4] =	wrdreg $0xC0  }
0xab: {  	_ =	task [dreg:s6], $0x5FFFF  }
0xac: {  	[dreg:$0x1] =	wrdreg $0xFFFFFFFF  }
0xad: {  	[dreg:$0x0] =	wrdreg $0x60  }
0xae: {  	[dreg:$0x2] =	wrdreg s24  }
0xaf: {  	[dreg:$0x3] =	wrdreg $0x9  }
0xb0: {  	_ =	task.clear_ibuf [dreg:s6], $0x4FFFF;
	_ =	strace $0x90000046  }
0xb1: {  	s29 =	simm.s32 $0x9;
	_ =	strace $0x80000048  }
0xb2: {  	_ =	swait.ge [sflag:s29], $0x1  }
0xb3: {  	[sflag:s29] =	ssyncadd.s32 $0xFFFFFFFF  }
0xb4: {  	_ =	strace $0x90000048  }
0xb5: {  	_ =	sfence  }
0xb6: {  	s30 =	sld [smem:$0x0];
	_ =	sdelay $0x2  }
0xb7: {  	s31 =	sshll.u32 s1, $0xD;
	s1 =	sshrl.u32 s1, $0x2  }
0xb8: {  	s3 =	sand.u32 $0x4000, s31;
	s1 =	sadd.s32 s1, s30  }
0xb9: {  	s0 =	sor.u32 s3, s0;
	s1 =	sshll.u32 s1, $0x11  }
0xba: {  	s0 =	sor.u32 s1, s0  }
0xbb: {  	s0 =	sadd.s32 $0x8F2B, s0  }
0xbc: {  	[sflag:s0] =	ssyncadd.remote.s32 $0x1  }
0xbd: {  	_ =	sfence.sel $0xFFFF  }
0xbe: {  	[dreg:$0x0] =	wrdreg $0xFFFFFFFF;
	(pc) =	sbr.abs _section_cstart, $3  }
0xbf: {  	[dreg:$0x1] =	wrdreg $0xFFFFFFFF  }
0xc0: {  	_ =	task.clear_ibuf [dreg:s6], $0x2FFFF;
	_ =	strace $0x9FFFFFFF  }
0xc1: {  	(tm) =	ssettm $0x7FFFFFFF  }
tec
execute0_lowered:
.L_overlay_start_1:
0x0: {  	(tag) =	ssettag $0x1  }
0x1: {  	s0 =	srdreg.scid  }
0x2: {  	s3 =	sand.u32 $0x1, s0;
	s0 =	stileid.u32  }
0x3: {  	s2 =	sshll.u32 s0, $0x1;
	s4 =	ssub.s32 $0x0, s3  }
0x4: {  	p0 =	sne.s32 s2, s4  }
.Ltmp0:
0x5: {  	_ = 	snop;
	(pc) =	sbr.rel @p0 .LBB2_4-.Ltmp0, $3  }
0x6: {  	_ =	sdelay $0x1  }
0x7: {  	s5 =	rddreg [dreg:$0x0]  }
0x8: {  	s1 =	rddreg [dreg:$0x1];
	_ =	strace $0x80000047  }
0x9: {  	s2 =	sadd.s32 $0x1200, s5;
	s6 =	ssub.s32 $0x2, s3;
	s4 =	simm.s32 $0x0  }
0xa: {  	[tilespmem:s4], [sflag:$0x1] =	stream.linear.gather [hbm4b:s2+s4], $0x4000, $0x38;
	[tilespmem:$0x4000] =	vst v63  }
0xb: {  	s7 =	sshrl.u32 s6, $0x1  }
0xc: {  	s6 =	ssub.s32 s6, s7  }
0xd: {  	s3 =	simm.s32 $0x1;
	s6 =	smax.u32 s6, $0x1  }
0xe: {  	_ =	swait.ge [sflag:s3], $0x4000;
	p0 =	sne.s32 s6, $0x1  }
.Ltmp1:
0xf: {  	[sflag:s3] =	ssyncset.done $0x0;
	(pc) =	sbr.rel @!p0 .LBB2_3-.Ltmp1, $4  }
0x10: {  	s5 =	sadd.s32 $0x1A00, s5;
	[sflag:s3] =	ssyncadd.s32 $0xFFFFC000  }
0x11: {  	[hbm4b:s5+s4] =	stream.linear.scatter [tilespmem:s4], [sflag:$0x1], $0x4000, $0x38;
	[tilespmem:$0x4000] =	vst v63  }
0x12: {  	_ =	swait.ge [sflag:s3], $0x4000  }
0x13: {  	s6 =	sadd.s32 $0xFFFFFFFF, s6;
	[sflag:s3] =	ssyncset.done $0x0  }
.LBB2_2:
0x14: {  	p0 =	sne.s32 s6, $0x1;
	s6 =	sadd.s32 $0xFFFFFFFF, s6;
	[sflag:s3] =	ssyncadd.s32 $0xFFFFC000  }
0x15: {  	[tilespmem:s4], [sflag:$0x1] =	stream.linear.gather [hbm4b:s2+s4], $0x4000, $0x38;
	[tilespmem:$0x4000] =	vst v63  }
0x16: {  	_ =	swait.ge [sflag:s3], $0x4000  }
.Ltmp2:
0x17: {  	[sflag:s3] =	ssyncset.done $0x0;
	(pc) =	sbr.rel @p0 .LBB2_2-.Ltmp2, $4  }
0x18: {  	[sflag:s3] =	ssyncadd.s32 $0xFFFFC000  }
0x19: {  	[hbm4b:s5+s4] =	stream.linear.scatter [tilespmem:s4], [sflag:$0x1], $0x4000, $0x38;
	[tilespmem:$0x4000] =	vst v63  }
0x1a: {  	_ =	swait.ge [sflag:s3], $0x4000  }
0x1b: {  	[sflag:s3] =	ssyncset.done $0x0  }
.LBB2_3:
0x1c: {  	[sflag:s3] =	ssyncadd.s32 $0xFFFFC000  }
.LBB2_4:
0x1d: {  	_ =	sfence.sel $0x180000  }
0x1e: {  	[bflag:$0x0] =	sbarrier.arrive $0xFFFF  }
0x1f: {  	p0 =	sne.s32 s0, $0x0;
	_ =	strace $0x90000047  }
0x20: {  	s0 =	sadd.s32 @!p0 $0x100000, s1;
	[bflag:$0x2] =	sbarrier.arrive $0xFFFF  }
0x21: {  	[sflag:s0] =	ssyncadd.tile.s32 @!p0 $0x1;
	_ =	shalt  }
.Lfunc_end2:
_tile_overlayer_lowered:
.L_overlay_start_2:
0x22: {  	(tag) =	ssettag $0x2  }
0x23: {  	s0 =	rddreg [dreg:$0x0];
	s2 =	stileid.u32  }
0x24: {  	s1 =	rddreg [dreg:$0x1];
	p0 =	sne.s32 s2, $0x0  }
0x25: {  	s3 =	rddreg [dreg:$0x2];
	[bflag:$0x3] =	sbarrier.arrive $0xFFFF;
	s2 =	simm.s32 @!p0 $0x1C01  }
0x26: {  	[timem:s3], [sflag:s2] =	dma.local @!p0 [hbm:s0], s1  }
0x27: {  	s0 =	simm.s32 @!p0 $0x1  }
0x28: {  	_ =	swait.ge @!p0 [sflag:s0], s1  }
0x29: {  	s1 =	ssub.s32 @!p0 $0x0, s1;
	[sflag:s0] =	ssyncset.done @!p0 $0x0  }
0x2a: {  	[sflag:s0] =	ssyncadd.s32 @!p0 s1  }
0x2b: {  	[bflag:$0x3] =	sbarrier.arrive $0xFFFF  }
0x2c: {  	_ =	shalt  }

</sc_bundles>
